<compile_context>
chip_gen: v7x
topology: tpu7x:2x2x1
jax: 0.10.2.dev20260603
libtpu: 0.0.44.dev20260713+nightly
codegen_flags: <defaults>
</compile_context>

<pallas_src>
import functools

import jax
import jax.numpy as jnp
from jax import lax
from jax.experimental import pallas as pl
from jax.experimental.pallas import tpu as pltpu
from jax.experimental.pallas import tpu_sc as plsc

DIM = 128
NUM_CORES = 2
NUM_SUBCORES = 16
NUM_WORKERS = NUM_CORES * NUM_SUBCORES
CHUNK = 200
NBUF = 4


def kernel(input, table):
    batch, seq = input.shape
    num_idx = batch * seq
    idx = input.astype(jnp.int32).T.reshape(num_idx)

    b_per_w = num_idx // NUM_WORKERS
    n_chunks = b_per_w // CHUNK
    assert b_per_w * NUM_WORKERS == num_idx
    assert n_chunks * CHUNK == b_per_w and n_chunks % NBUF == 0

    mesh = plsc.VectorSubcoreMesh(core_axis_name="c", subcore_axis_name="s")

    @functools.partial(
        pl.kernel,
        mesh=mesh,
        out_type=jax.ShapeDtypeStruct((num_idx, DIM), jnp.float32),
        scratch_types=(
            [pltpu.VMEM((CHUNK,), jnp.int32) for _ in range(NBUF)]
            + [pltpu.VMEM((CHUNK, DIM), jnp.float32) for _ in range(NBUF)]
            + [pltpu.SemaphoreType.DMA for _ in range(3 * NBUF)]
        ),
    )
    def gather_kernel(table_hbm, idx_hbm, out_hbm, *scratch):
        idx_v = scratch[:NBUF]
        rows_v = scratch[NBUF:2 * NBUF]
        g_sem = scratch[2 * NBUF:3 * NBUF]
        o_sem = scratch[3 * NBUF:4 * NBUF]
        i_sem = scratch[4 * NBUF:]
        wid = lax.axis_index("s") * NUM_CORES + lax.axis_index("c")
        base = wid * b_per_w

        def idx_copy(off, b):
            return pltpu.make_async_copy(idx_hbm.at[pl.ds(off, CHUNK)],
                                         idx_v[b], i_sem[b])

        def gather_copy(b):
            return pltpu.make_async_copy(table_hbm.at[idx_v[b]], rows_v[b],
                                         g_sem[b])

        def out_copy(off, b):
            return pltpu.make_async_copy(rows_v[b],
                                         out_hbm.at[pl.ds(off, CHUNK)],
                                         o_sem[b])

        def step(off, b, issue_next):
            gather_copy(b).wait()
            if issue_next:
                idx_copy(off + NBUF * CHUNK, b).start()
            out_copy(off, b).start()
            if issue_next:
                out_copy(off, b).wait()
                idx_copy(off + NBUF * CHUNK, b).wait()
                gather_copy(b).start()

        for b in range(NBUF):
            idx_copy(base + b * CHUNK, b).start()
            idx_copy(base + b * CHUNK, b).wait()
            gather_copy(b).start()

        @pl.loop(0, n_chunks - NBUF, step=NBUF)
        def _(j):
            for b in range(NBUF):
                step(base + (j + b) * CHUNK, b, issue_next=True)

        for b in range(NBUF):
            off = base + (n_chunks - NBUF + b) * CHUNK
            step(off, b, issue_next=False)
            out_copy(off, b).wait()

    out = gather_kernel(table, idx)
    return out.reshape(seq, batch, DIM).transpose(1, 0, 2)

# --- scband reference (transcript-rebuilt; emitter-appended) ---
"""Pipeline reference for scband-multi-word-embedding-31679678775842 (READ-ONLY COPY).

The authoritative reference and input builder live on the scoring server;
editing this copy changes nothing except your own understanding.
"""

import jax, jax.numpy as jnp
import numpy as np

VOCAB = 100000
DIM = 128
PAD = 0

def setup_inputs(seed: int = 0) -> dict:
    key = jax.random.key(seed)
    k1, k2 = jax.random.split(key)
    input_ids = jax.random.randint(k1, (4096, 50), 0, VOCAB, dtype=jnp.int64)
    table = jax.random.normal(k2, (VOCAB, DIM), dtype=jnp.float32)
    # nn.Embedding with padding_idx=PAD initializes that row to zeros
    table = table.at[PAD].set(0.0)
    return {"input": input_ids, "table": table}

def reference(input, table):
    # MultiWordEmbedding.forward with currentID=0: lookup = self.moduleList[0]; return lookup(input)
    embedding = jnp.take(table, input, axis=0)
    return embedding

if __name__ == "__main__":
    import jax
    _d = setup_inputs()
    print(jax.jit(kernel)(*tuple(_d.values())))

</pallas_src>

<mosaic_0001>
#map = affine_map<(d0, d1) -> (0, 0)>
#map1 = affine_map<(d0, d1) -> (0)>
module attributes {stable_mosaic.version = 14 : i64} {
  func.func @gather_kernel(%arg0: i32, %arg1: i32, %arg2: memref<100000x128xf32, #tpu.memory_space<hbm>>, %arg3: memref<204800xi32, #tpu.memory_space<hbm>>, %arg4: memref<204800x128xf32, #tpu.memory_space<hbm>>, %arg5: memref<200xi32, #tpu.memory_space<vmem>>, %arg6: memref<200xi32, #tpu.memory_space<vmem>>, %arg7: memref<200xi32, #tpu.memory_space<vmem>>, %arg8: memref<200xi32, #tpu.memory_space<vmem>>, %arg9: memref<200x128xf32, #tpu.memory_space<vmem>>, %arg10: memref<200x128xf32, #tpu.memory_space<vmem>>, %arg11: memref<200x128xf32, #tpu.memory_space<vmem>>, %arg12: memref<200x128xf32, #tpu.memory_space<vmem>>, %arg13: memref<!tpu.dma_semaphore, #tpu.memory_space<semaphore_mem>>, %arg14: memref<!tpu.dma_semaphore, #tpu.memory_space<semaphore_mem>>, %arg15: memref<!tpu.dma_semaphore, #tpu.memory_space<semaphore_mem>>, %arg16: memref<!tpu.dma_semaphore, #tpu.memory_space<semaphore_mem>>, %arg17: memref<!tpu.dma_semaphore, #tpu.memory_space<semaphore_mem>>, %arg18: memref<!tpu.dma_semaphore, #tpu.memory_space<semaphore_mem>>, %arg19: memref<!tpu.dma_semaphore, #tpu.memory_space<semaphore_mem>>, %arg20: memref<!tpu.dma_semaphore, #tpu.memory_space<semaphore_mem>>, %arg21: memref<!tpu.dma_semaphore, #tpu.memory_space<semaphore_mem>>, %arg22: memref<!tpu.dma_semaphore, #tpu.memory_space<semaphore_mem>>, %arg23: memref<!tpu.dma_semaphore, #tpu.memory_space<semaphore_mem>>, %arg24: memref<!tpu.dma_semaphore, #tpu.memory_space<semaphore_mem>>) attributes {dimension_semantics = [#tpu.dimension_semantics<core_parallel>, #tpu.dimension_semantics<subcore_parallel>], iteration_bounds = array<i64: 2, 16>, scalar_prefetch = 0 : i64, scratch_operands = 20 : i64, tpu.core_type = #tpu.core_type<sc_vector_subcore>, window_params = [{transform_indices = #map}, {transform_indices = #map1}, {transform_indices = #map}]} {
    %mul3A = arith.constant 2 : i32
    %mul3A_0 = arith.muli %arg1, %mul3A : i32
    %add3A = arith.addi %mul3A_0, %arg0 : i32
    %mul3A_1 = arith.constant 6400 : i32
    %mul3A_2 = arith.muli %add3A, %mul3A_1 : i32
    %add3A_3 = arith.constant 0 : i32
    %add3A_4 = arith.addi %mul3A_2, %add3A_3 : i32
    %dma_start3A = tpu.memref_slice %arg3[%add3A_4] : memref<204800xi32, #tpu.memory_space<hbm>> -> memref<200xi32, #tpu.memory_space<hbm>>
    %dma_start3A_5 = tpu.memref_slice %arg3[%add3A_4] : memref<204800xi32, #tpu.memory_space<hbm>> -> memref<200xi32, #tpu.memory_space<hbm>>
    tpu.enqueue_dma source(%dma_start3A_5 : memref<200xi32, #tpu.memory_space<hbm>>) target(%arg5 : memref<200xi32, #tpu.memory_space<vmem>>) target_semaphore(%arg21 : memref<!tpu.dma_semaphore, #tpu.memory_space<semaphore_mem>>)
    %add3A_6 = arith.constant 0 : i32
    %add3A_7 = arith.addi %mul3A_2, %add3A_6 : i32
    %dma_wait3A = tpu.memref_slice %arg3[%add3A_7] : memref<204800xi32, #tpu.memory_space<hbm>> -> memref<200xi32, #tpu.memory_space<hbm>>
    %dma_wait3A_8 = tpu.memref_slice %arg3[%add3A_7] : memref<204800xi32, #tpu.memory_space<hbm>> -> memref<200xi32, #tpu.memory_space<hbm>>
    tpu.wait_dma2 semaphore(%arg21 : memref<!tpu.dma_semaphore, #tpu.memory_space<semaphore_mem>>) src(%dma_wait3A_8 : memref<200xi32, #tpu.memory_space<hbm>>) dst(%arg5 : memref<200xi32, #tpu.memory_space<vmem>>)
    %dma_start3A_9 = arith.constant 0 : i32
    %dma_start3A_10 = arith.constant 0 : i32
    %dma_start3A_11 = tpu.memref_slice %arg2[%dma_start3A_9, %dma_start3A_10] : memref<100000x128xf32, #tpu.memory_space<hbm>> -> memref<100000x128xf32, #tpu.memory_space<hbm>>
    tpu.enqueue_indirect_dma source(%dma_start3A_11 : memref<100000x128xf32, #tpu.memory_space<hbm>>) target(%arg9 : memref<200x128xf32, #tpu.memory_space<vmem>>) offsets(%arg5 : memref<200xi32, #tpu.memory_space<vmem>>) semaphore(%arg13 : memref<!tpu.dma_semaphore, #tpu.memory_space<semaphore_mem>>)
    %add3A_12 = arith.constant 200 : i32
    %add3A_13 = arith.addi %mul3A_2, %add3A_12 : i32
    %dma_start3A_14 = tpu.memref_slice %arg3[%add3A_13] : memref<204800xi32, #tpu.memory_space<hbm>> -> memref<200xi32, #tpu.memory_space<hbm>>
    %dma_start3A_15 = tpu.memref_slice %arg3[%add3A_13] : memref<204800xi32, #tpu.memory_space<hbm>> -> memref<200xi32, #tpu.memory_space<hbm>>
    tpu.enqueue_dma source(%dma_start3A_15 : memref<200xi32, #tpu.memory_space<hbm>>) target(%arg6 : memref<200xi32, #tpu.memory_space<vmem>>) target_semaphore(%arg22 : memref<!tpu.dma_semaphore, #tpu.memory_space<semaphore_mem>>)
    %add3A_16 = arith.constant 200 : i32
    %add3A_17 = arith.addi %mul3A_2, %add3A_16 : i32
    %dma_wait3A_18 = tpu.memref_slice %arg3[%add3A_17] : memref<204800xi32, #tpu.memory_space<hbm>> -> memref<200xi32, #tpu.memory_space<hbm>>
    %dma_wait3A_19 = tpu.memref_slice %arg3[%add3A_17] : memref<204800xi32, #tpu.memory_space<hbm>> -> memref<200xi32, #tpu.memory_space<hbm>>
    tpu.wait_dma2 semaphore(%arg22 : memref<!tpu.dma_semaphore, #tpu.memory_space<semaphore_mem>>) src(%dma_wait3A_19 : memref<200xi32, #tpu.memory_space<hbm>>) dst(%arg6 : memref<200xi32, #tpu.memory_space<vmem>>)
    %dma_start3A_20 = arith.constant 0 : i32
    %dma_start3A_21 = arith.constant 0 : i32
    %dma_start3A_22 = tpu.memref_slice %arg2[%dma_start3A_20, %dma_start3A_21] : memref<100000x128xf32, #tpu.memory_space<hbm>> -> memref<100000x128xf32, #tpu.memory_space<hbm>>
    tpu.enqueue_indirect_dma source(%dma_start3A_22 : memref<100000x128xf32, #tpu.memory_space<hbm>>) target(%arg10 : memref<200x128xf32, #tpu.memory_space<vmem>>) offsets(%arg6 : memref<200xi32, #tpu.memory_space<vmem>>) semaphore(%arg14 : memref<!tpu.dma_semaphore, #tpu.memory_space<semaphore_mem>>)
    %add3A_23 = arith.constant 400 : i32
    %add3A_24 = arith.addi %mul3A_2, %add3A_23 : i32
    %dma_start3A_25 = tpu.memref_slice %arg3[%add3A_24] : memref<204800xi32, #tpu.memory_space<hbm>> -> memref<200xi32, #tpu.memory_space<hbm>>
    %dma_start3A_26 = tpu.memref_slice %arg3[%add3A_24] : memref<204800xi32, #tpu.memory_space<hbm>> -> memref<200xi32, #tpu.memory_space<hbm>>
    tpu.enqueue_dma source(%dma_start3A_26 : memref<200xi32, #tpu.memory_space<hbm>>) target(%arg7 : memref<200xi32, #tpu.memory_space<vmem>>) target_semaphore(%arg23 : memref<!tpu.dma_semaphore, #tpu.memory_space<semaphore_mem>>)
    %add3A_27 = arith.constant 400 : i32
    %add3A_28 = arith.addi %mul3A_2, %add3A_27 : i32
    %dma_wait3A_29 = tpu.memref_slice %arg3[%add3A_28] : memref<204800xi32, #tpu.memory_space<hbm>> -> memref<200xi32, #tpu.memory_space<hbm>>
    %dma_wait3A_30 = tpu.memref_slice %arg3[%add3A_28] : memref<204800xi32, #tpu.memory_space<hbm>> -> memref<200xi32, #tpu.memory_space<hbm>>
    tpu.wait_dma2 semaphore(%arg23 : memref<!tpu.dma_semaphore, #tpu.memory_space<semaphore_mem>>) src(%dma_wait3A_30 : memref<200xi32, #tpu.memory_space<hbm>>) dst(%arg7 : memref<200xi32, #tpu.memory_space<vmem>>)
    %dma_start3A_31 = arith.constant 0 : i32
    %dma_start3A_32 = arith.constant 0 : i32
    %dma_start3A_33 = tpu.memref_slice %arg2[%dma_start3A_31, %dma_start3A_32] : memref<100000x128xf32, #tpu.memory_space<hbm>> -> memref<100000x128xf32, #tpu.memory_space<hbm>>
    tpu.enqueue_indirect_dma source(%dma_start3A_33 : memref<100000x128xf32, #tpu.memory_space<hbm>>) target(%arg11 : memref<200x128xf32, #tpu.memory_space<vmem>>) offsets(%arg7 : memref<200xi32, #tpu.memory_space<vmem>>) semaphore(%arg15 : memref<!tpu.dma_semaphore, #tpu.memory_space<semaphore_mem>>)
    %add3A_34 = arith.constant 600 : i32
    %add3A_35 = arith.addi %mul3A_2, %add3A_34 : i32
    %dma_start3A_36 = tpu.memref_slice %arg3[%add3A_35] : memref<204800xi32, #tpu.memory_space<hbm>> -> memref<200xi32, #tpu.memory_space<hbm>>
    %dma_start3A_37 = tpu.memref_slice %arg3[%add3A_35] : memref<204800xi32, #tpu.memory_space<hbm>> -> memref<200xi32, #tpu.memory_space<hbm>>
    tpu.enqueue_dma source(%dma_start3A_37 : memref<200xi32, #tpu.memory_space<hbm>>) target(%arg8 : memref<200xi32, #tpu.memory_space<vmem>>) target_semaphore(%arg24 : memref<!tpu.dma_semaphore, #tpu.memory_space<semaphore_mem>>)
    %add3A_38 = arith.constant 600 : i32
    %add3A_39 = arith.addi %mul3A_2, %add3A_38 : i32
    %dma_wait3A_40 = tpu.memref_slice %arg3[%add3A_39] : memref<204800xi32, #tpu.memory_space<hbm>> -> memref<200xi32, #tpu.memory_space<hbm>>
    %dma_wait3A_41 = tpu.memref_slice %arg3[%add3A_39] : memref<204800xi32, #tpu.memory_space<hbm>> -> memref<200xi32, #tpu.memory_space<hbm>>
    tpu.wait_dma2 semaphore(%arg24 : memref<!tpu.dma_semaphore, #tpu.memory_space<semaphore_mem>>) src(%dma_wait3A_41 : memref<200xi32, #tpu.memory_space<hbm>>) dst(%arg8 : memref<200xi32, #tpu.memory_space<vmem>>)
    %dma_start3A_42 = arith.constant 0 : i32
    %dma_start3A_43 = arith.constant 0 : i32
    %dma_start3A_44 = tpu.memref_slice %arg2[%dma_start3A_42, %dma_start3A_43] : memref<100000x128xf32, #tpu.memory_space<hbm>> -> memref<100000x128xf32, #tpu.memory_space<hbm>>
    tpu.enqueue_indirect_dma source(%dma_start3A_44 : memref<100000x128xf32, #tpu.memory_space<hbm>>) target(%arg12 : memref<200x128xf32, #tpu.memory_space<vmem>>) offsets(%arg8 : memref<200xi32, #tpu.memory_space<vmem>>) semaphore(%arg16 : memref<!tpu.dma_semaphore, #tpu.memory_space<semaphore_mem>>)
    %scan3A = arith.constant 0 : i32
    %scan3A_45 = arith.constant 7 : i32
    %scan3A_46 = arith.addi %scan3A, %scan3A_45 : i32
    %scan3A_47 = arith.constant 1 : i32
    scf.for %scan3A_101 = %scan3A to %scan3A_46 step %scan3A_47  : i32 {
      %mul3A_102 = arith.constant 4 : i32
      %mul3A_103 = arith.muli %scan3A_101, %mul3A_102 : i32
      %add3A_104 = arith.constant 0 : i32
      %add3A_105 = arith.addi %add3A_104, %mul3A_103 : i32
      %add3A_106 = arith.constant 0 : i32
      %add3A_107 = arith.addi %add3A_105, %add3A_106 : i32
      %mul3A_108 = arith.constant 200 : i32
      %mul3A_109 = arith.muli %add3A_107, %mul3A_108 : i32
      %add3A_110 = arith.addi %mul3A_2, %mul3A_109 : i32
      %dma_wait3A_111 = arith.constant 0 : i32
      %dma_wait3A_112 = arith.constant 0 : i32
      %dma_wait3A_113 = tpu.memref_slice %arg2[%dma_wait3A_111, %dma_wait3A_112] : memref<100000x128xf32, #tpu.memory_space<hbm>> -> memref<100000x128xf32, #tpu.memory_space<hbm>>
      tpu.wait_indirect_dma semaphore(%arg13 : memref<!tpu.dma_semaphore, #tpu.memory_space<semaphore_mem>>) src(%dma_wait3A_113 : memref<100000x128xf32, #tpu.memory_space<hbm>>) dst(%arg9 : memref<200x128xf32, #tpu.memory_space<vmem>>)
      %add3A_114 = arith.constant 800 : i32
      %add3A_115 = arith.addi %add3A_110, %add3A_114 : i32
      %dma_start3A_116 = tpu.memref_slice %arg3[%add3A_115] : memref<204800xi32, #tpu.memory_space<hbm>> -> memref<200xi32, #tpu.memory_space<hbm>>
      %dma_start3A_117 = tpu.memref_slice %arg3[%add3A_115] : memref<204800xi32, #tpu.memory_space<hbm>> -> memref<200xi32, #tpu.memory_space<hbm>>
      tpu.enqueue_dma source(%dma_start3A_117 : memref<200xi32, #tpu.memory_space<hbm>>) target(%arg5 : memref<200xi32, #tpu.memory_space<vmem>>) target_semaphore(%arg21 : memref<!tpu.dma_semaphore, #tpu.memory_space<semaphore_mem>>)
      %dma_start3A_118 = arith.constant 0 : i32
      %dma_start3A_119 = tpu.memref_slice %arg4[%add3A_110, %dma_start3A_118] : memref<204800x128xf32, #tpu.memory_space<hbm>> -> memref<200x128xf32, #tpu.memory_space<hbm>>
      %dma_start3A_120 = arith.constant 0 : i32
      %dma_start3A_121 = tpu.memref_slice %arg4[%add3A_110, %dma_start3A_120] : memref<204800x128xf32, #tpu.memory_space<hbm>> -> memref<200x128xf32, #tpu.memory_space<hbm>>
      tpu.enqueue_dma source(%arg9 : memref<200x128xf32, #tpu.memory_space<vmem>>) target(%dma_start3A_121 : memref<200x128xf32, #tpu.memory_space<hbm>>) target_semaphore(%arg17 : memref<!tpu.dma_semaphore, #tpu.memory_space<semaphore_mem>>)
      %dma_wait3A_122 = arith.constant 0 : i32
      %dma_wait3A_123 = tpu.memref_slice %arg4[%add3A_110, %dma_wait3A_122] : memref<204800x128xf32, #tpu.memory_space<hbm>> -> memref<200x128xf32, #tpu.memory_space<hbm>>
      %dma_wait3A_124 = arith.constant 0 : i32
      %dma_wait3A_125 = tpu.memref_slice %arg4[%add3A_110, %dma_wait3A_124] : memref<204800x128xf32, #tpu.memory_space<hbm>> -> memref<200x128xf32, #tpu.memory_space<hbm>>
      tpu.wait_dma2 semaphore(%arg17 : memref<!tpu.dma_semaphore, #tpu.memory_space<semaphore_mem>>) src(%arg9 : memref<200x128xf32, #tpu.memory_space<vmem>>) dst(%dma_wait3A_125 : memref<200x128xf32, #tpu.memory_space<hbm>>)
      %add3A_126 = arith.constant 800 : i32
      %add3A_127 = arith.addi %add3A_110, %add3A_126 : i32
      %dma_wait3A_128 = tpu.memref_slice %arg3[%add3A_127] : memref<204800xi32, #tpu.memory_space<hbm>> -> memref<200xi32, #tpu.memory_space<hbm>>
      %dma_wait3A_129 = tpu.memref_slice %arg3[%add3A_127] : memref<204800xi32, #tpu.memory_space<hbm>> -> memref<200xi32, #tpu.memory_space<hbm>>
      tpu.wait_dma2 semaphore(%arg21 : memref<!tpu.dma_semaphore, #tpu.memory_space<semaphore_mem>>) src(%dma_wait3A_129 : memref<200xi32, #tpu.memory_space<hbm>>) dst(%arg5 : memref<200xi32, #tpu.memory_space<vmem>>)
      %dma_start3A_130 = arith.constant 0 : i32
      %dma_start3A_131 = arith.constant 0 : i32
      %dma_start3A_132 = tpu.memref_slice %arg2[%dma_start3A_130, %dma_start3A_131] : memref<100000x128xf32, #tpu.memory_space<hbm>> -> memref<100000x128xf32, #tpu.memory_space<hbm>>
      tpu.enqueue_indirect_dma source(%dma_start3A_132 : memref<100000x128xf32, #tpu.memory_space<hbm>>) target(%arg9 : memref<200x128xf32, #tpu.memory_space<vmem>>) offsets(%arg5 : memref<200xi32, #tpu.memory_space<vmem>>) semaphore(%arg13 : memref<!tpu.dma_semaphore, #tpu.memory_space<semaphore_mem>>)
      %add3A_133 = arith.constant 1 : i32
      %add3A_134 = arith.addi %add3A_105, %add3A_133 : i32
      %mul3A_135 = arith.constant 200 : i32
      %mul3A_136 = arith.muli %add3A_134, %mul3A_135 : i32
      %add3A_137 = arith.addi %mul3A_2, %mul3A_136 : i32
      %dma_wait3A_138 = arith.constant 0 : i32
      %dma_wait3A_139 = arith.constant 0 : i32
      %dma_wait3A_140 = tpu.memref_slice %arg2[%dma_wait3A_138, %dma_wait3A_139] : memref<100000x128xf32, #tpu.memory_space<hbm>> -> memref<100000x128xf32, #tpu.memory_space<hbm>>
      tpu.wait_indirect_dma semaphore(%arg14 : memref<!tpu.dma_semaphore, #tpu.memory_space<semaphore_mem>>) src(%dma_wait3A_140 : memref<100000x128xf32, #tpu.memory_space<hbm>>) dst(%arg10 : memref<200x128xf32, #tpu.memory_space<vmem>>)
      %add3A_141 = arith.constant 800 : i32
      %add3A_142 = arith.addi %add3A_137, %add3A_141 : i32
      %dma_start3A_143 = tpu.memref_slice %arg3[%add3A_142] : memref<204800xi32, #tpu.memory_space<hbm>> -> memref<200xi32, #tpu.memory_space<hbm>>
      %dma_start3A_144 = tpu.memref_slice %arg3[%add3A_142] : memref<204800xi32, #tpu.memory_space<hbm>> -> memref<200xi32, #tpu.memory_space<hbm>>
      tpu.enqueue_dma source(%dma_start3A_144 : memref<200xi32, #tpu.memory_space<hbm>>) target(%arg6 : memref<200xi32, #tpu.memory_space<vmem>>) target_semaphore(%arg22 : memref<!tpu.dma_semaphore, #tpu.memory_space<semaphore_mem>>)
      %dma_start3A_145 = arith.constant 0 : i32
      %dma_start3A_146 = tpu.memref_slice %arg4[%add3A_137, %dma_start3A_145] : memref<204800x128xf32, #tpu.memory_space<hbm>> -> memref<200x128xf32, #tpu.memory_space<hbm>>
      %dma_start3A_147 = arith.constant 0 : i32
      %dma_start3A_148 = tpu.memref_slice %arg4[%add3A_137, %dma_start3A_147] : memref<204800x128xf32, #tpu.memory_space<hbm>> -> memref<200x128xf32, #tpu.memory_space<hbm>>
      tpu.enqueue_dma source(%arg10 : memref<200x128xf32, #tpu.memory_space<vmem>>) target(%dma_start3A_148 : memref<200x128xf32, #tpu.memory_space<hbm>>) target_semaphore(%arg18 : memref<!tpu.dma_semaphore, #tpu.memory_space<semaphore_mem>>)
      %dma_wait3A_149 = arith.constant 0 : i32
      %dma_wait3A_150 = tpu.memref_slice %arg4[%add3A_137, %dma_wait3A_149] : memref<204800x128xf32, #tpu.memory_space<hbm>> -> memref<200x128xf32, #tpu.memory_space<hbm>>
      %dma_wait3A_151 = arith.constant 0 : i32
      %dma_wait3A_152 = tpu.memref_slice %arg4[%add3A_137, %dma_wait3A_151] : memref<204800x128xf32, #tpu.memory_space<hbm>> -> memref<200x128xf32, #tpu.memory_space<hbm>>
      tpu.wait_dma2 semaphore(%arg18 : memref<!tpu.dma_semaphore, #tpu.memory_space<semaphore_mem>>) src(%arg10 : memref<200x128xf32, #tpu.memory_space<vmem>>) dst(%dma_wait3A_152 : memref<200x128xf32, #tpu.memory_space<hbm>>)
      %add3A_153 = arith.constant 800 : i32
      %add3A_154 = arith.addi %add3A_137, %add3A_153 : i32
      %dma_wait3A_155 = tpu.memref_slice %arg3[%add3A_154] : memref<204800xi32, #tpu.memory_space<hbm>> -> memref<200xi32, #tpu.memory_space<hbm>>
      %dma_wait3A_156 = tpu.memref_slice %arg3[%add3A_154] : memref<204800xi32, #tpu.memory_space<hbm>> -> memref<200xi32, #tpu.memory_space<hbm>>
      tpu.wait_dma2 semaphore(%arg22 : memref<!tpu.dma_semaphore, #tpu.memory_space<semaphore_mem>>) src(%dma_wait3A_156 : memref<200xi32, #tpu.memory_space<hbm>>) dst(%arg6 : memref<200xi32, #tpu.memory_space<vmem>>)
      %dma_start3A_157 = arith.constant 0 : i32
      %dma_start3A_158 = arith.constant 0 : i32
      %dma_start3A_159 = tpu.memref_slice %arg2[%dma_start3A_157, %dma_start3A_158] : memref<100000x128xf32, #tpu.memory_space<hbm>> -> memref<100000x128xf32, #tpu.memory_space<hbm>>
      tpu.enqueue_indirect_dma source(%dma_start3A_159 : memref<100000x128xf32, #tpu.memory_space<hbm>>) target(%arg10 : memref<200x128xf32, #tpu.memory_space<vmem>>) offsets(%arg6 : memref<200xi32, #tpu.memory_space<vmem>>) semaphore(%arg14 : memref<!tpu.dma_semaphore, #tpu.memory_space<semaphore_mem>>)
      %add3A_160 = arith.constant 2 : i32
      %add3A_161 = arith.addi %add3A_105, %add3A_160 : i32
      %mul3A_162 = arith.constant 200 : i32
      %mul3A_163 = arith.muli %add3A_161, %mul3A_162 : i32
      %add3A_164 = arith.addi %mul3A_2, %mul3A_163 : i32
      %dma_wait3A_165 = arith.constant 0 : i32
      %dma_wait3A_166 = arith.constant 0 : i32
      %dma_wait3A_167 = tpu.memref_slice %arg2[%dma_wait3A_165, %dma_wait3A_166] : memref<100000x128xf32, #tpu.memory_space<hbm>> -> memref<100000x128xf32, #tpu.memory_space<hbm>>
      tpu.wait_indirect_dma semaphore(%arg15 : memref<!tpu.dma_semaphore, #tpu.memory_space<semaphore_mem>>) src(%dma_wait3A_167 : memref<100000x128xf32, #tpu.memory_space<hbm>>) dst(%arg11 : memref<200x128xf32, #tpu.memory_space<vmem>>)
      %add3A_168 = arith.constant 800 : i32
      %add3A_169 = arith.addi %add3A_164, %add3A_168 : i32
      %dma_start3A_170 = tpu.memref_slice %arg3[%add3A_169] : memref<204800xi32, #tpu.memory_space<hbm>> -> memref<200xi32, #tpu.memory_space<hbm>>
      %dma_start3A_171 = tpu.memref_slice %arg3[%add3A_169] : memref<204800xi32, #tpu.memory_space<hbm>> -> memref<200xi32, #tpu.memory_space<hbm>>
      tpu.enqueue_dma source(%dma_start3A_171 : memref<200xi32, #tpu.memory_space<hbm>>) target(%arg7 : memref<200xi32, #tpu.memory_space<vmem>>) target_semaphore(%arg23 : memref<!tpu.dma_semaphore, #tpu.memory_space<semaphore_mem>>)
      %dma_start3A_172 = arith.constant 0 : i32
      %dma_start3A_173 = tpu.memref_slice %arg4[%add3A_164, %dma_start3A_172] : memref<204800x128xf32, #tpu.memory_space<hbm>> -> memref<200x128xf32, #tpu.memory_space<hbm>>
      %dma_start3A_174 = arith.constant 0 : i32
      %dma_start3A_175 = tpu.memref_slice %arg4[%add3A_164, %dma_start3A_174] : memref<204800x128xf32, #tpu.memory_space<hbm>> -> memref<200x128xf32, #tpu.memory_space<hbm>>
      tpu.enqueue_dma source(%arg11 : memref<200x128xf32, #tpu.memory_space<vmem>>) target(%dma_start3A_175 : memref<200x128xf32, #tpu.memory_space<hbm>>) target_semaphore(%arg19 : memref<!tpu.dma_semaphore, #tpu.memory_space<semaphore_mem>>)
      %dma_wait3A_176 = arith.constant 0 : i32
      %dma_wait3A_177 = tpu.memref_slice %arg4[%add3A_164, %dma_wait3A_176] : memref<204800x128xf32, #tpu.memory_space<hbm>> -> memref<200x128xf32, #tpu.memory_space<hbm>>
      %dma_wait3A_178 = arith.constant 0 : i32
      %dma_wait3A_179 = tpu.memref_slice %arg4[%add3A_164, %dma_wait3A_178] : memref<204800x128xf32, #tpu.memory_space<hbm>> -> memref<200x128xf32, #tpu.memory_space<hbm>>
      tpu.wait_dma2 semaphore(%arg19 : memref<!tpu.dma_semaphore, #tpu.memory_space<semaphore_mem>>) src(%arg11 : memref<200x128xf32, #tpu.memory_space<vmem>>) dst(%dma_wait3A_179 : memref<200x128xf32, #tpu.memory_space<hbm>>)
      %add3A_180 = arith.constant 800 : i32
      %add3A_181 = arith.addi %add3A_164, %add3A_180 : i32
      %dma_wait3A_182 = tpu.memref_slice %arg3[%add3A_181] : memref<204800xi32, #tpu.memory_space<hbm>> -> memref<200xi32, #tpu.memory_space<hbm>>
      %dma_wait3A_183 = tpu.memref_slice %arg3[%add3A_181] : memref<204800xi32, #tpu.memory_space<hbm>> -> memref<200xi32, #tpu.memory_space<hbm>>
      tpu.wait_dma2 semaphore(%arg23 : memref<!tpu.dma_semaphore, #tpu.memory_space<semaphore_mem>>) src(%dma_wait3A_183 : memref<200xi32, #tpu.memory_space<hbm>>) dst(%arg7 : memref<200xi32, #tpu.memory_space<vmem>>)
      %dma_start3A_184 = arith.constant 0 : i32
      %dma_start3A_185 = arith.constant 0 : i32
      %dma_start3A_186 = tpu.memref_slice %arg2[%dma_start3A_184, %dma_start3A_185] : memref<100000x128xf32, #tpu.memory_space<hbm>> -> memref<100000x128xf32, #tpu.memory_space<hbm>>
      tpu.enqueue_indirect_dma source(%dma_start3A_186 : memref<100000x128xf32, #tpu.memory_space<hbm>>) target(%arg11 : memref<200x128xf32, #tpu.memory_space<vmem>>) offsets(%arg7 : memref<200xi32, #tpu.memory_space<vmem>>) semaphore(%arg15 : memref<!tpu.dma_semaphore, #tpu.memory_space<semaphore_mem>>)
      %add3A_187 = arith.constant 3 : i32
      %add3A_188 = arith.addi %add3A_105, %add3A_187 : i32
      %mul3A_189 = arith.constant 200 : i32
      %mul3A_190 = arith.muli %add3A_188, %mul3A_189 : i32
      %add3A_191 = arith.addi %mul3A_2, %mul3A_190 : i32
      %dma_wait3A_192 = arith.constant 0 : i32
      %dma_wait3A_193 = arith.constant 0 : i32
      %dma_wait3A_194 = tpu.memref_slice %arg2[%dma_wait3A_192, %dma_wait3A_193] : memref<100000x128xf32, #tpu.memory_space<hbm>> -> memref<100000x128xf32, #tpu.memory_space<hbm>>
      tpu.wait_indirect_dma semaphore(%arg16 : memref<!tpu.dma_semaphore, #tpu.memory_space<semaphore_mem>>) src(%dma_wait3A_194 : memref<100000x128xf32, #tpu.memory_space<hbm>>) dst(%arg12 : memref<200x128xf32, #tpu.memory_space<vmem>>)
      %add3A_195 = arith.constant 800 : i32
      %add3A_196 = arith.addi %add3A_191, %add3A_195 : i32
      %dma_start3A_197 = tpu.memref_slice %arg3[%add3A_196] : memref<204800xi32, #tpu.memory_space<hbm>> -> memref<200xi32, #tpu.memory_space<hbm>>
      %dma_start3A_198 = tpu.memref_slice %arg3[%add3A_196] : memref<204800xi32, #tpu.memory_space<hbm>> -> memref<200xi32, #tpu.memory_space<hbm>>
      tpu.enqueue_dma source(%dma_start3A_198 : memref<200xi32, #tpu.memory_space<hbm>>) target(%arg8 : memref<200xi32, #tpu.memory_space<vmem>>) target_semaphore(%arg24 : memref<!tpu.dma_semaphore, #tpu.memory_space<semaphore_mem>>)
      %dma_start3A_199 = arith.constant 0 : i32
      %dma_start3A_200 = tpu.memref_slice %arg4[%add3A_191, %dma_start3A_199] : memref<204800x128xf32, #tpu.memory_space<hbm>> -> memref<200x128xf32, #tpu.memory_space<hbm>>
      %dma_start3A_201 = arith.constant 0 : i32
      %dma_start3A_202 = tpu.memref_slice %arg4[%add3A_191, %dma_start3A_201] : memref<204800x128xf32, #tpu.memory_space<hbm>> -> memref<200x128xf32, #tpu.memory_space<hbm>>
      tpu.enqueue_dma source(%arg12 : memref<200x128xf32, #tpu.memory_space<vmem>>) target(%dma_start3A_202 : memref<200x128xf32, #tpu.memory_space<hbm>>) target_semaphore(%arg20 : memref<!tpu.dma_semaphore, #tpu.memory_space<semaphore_mem>>)
      %dma_wait3A_203 = arith.constant 0 : i32
      %dma_wait3A_204 = tpu.memref_slice %arg4[%add3A_191, %dma_wait3A_203] : memref<204800x128xf32, #tpu.memory_space<hbm>> -> memref<200x128xf32, #tpu.memory_space<hbm>>
      %dma_wait3A_205 = arith.constant 0 : i32
      %dma_wait3A_206 = tpu.memref_slice %arg4[%add3A_191, %dma_wait3A_205] : memref<204800x128xf32, #tpu.memory_space<hbm>> -> memref<200x128xf32, #tpu.memory_space<hbm>>
      tpu.wait_dma2 semaphore(%arg20 : memref<!tpu.dma_semaphore, #tpu.memory_space<semaphore_mem>>) src(%arg12 : memref<200x128xf32, #tpu.memory_space<vmem>>) dst(%dma_wait3A_206 : memref<200x128xf32, #tpu.memory_space<hbm>>)
      %add3A_207 = arith.constant 800 : i32
      %add3A_208 = arith.addi %add3A_191, %add3A_207 : i32
      %dma_wait3A_209 = tpu.memref_slice %arg3[%add3A_208] : memref<204800xi32, #tpu.memory_space<hbm>> -> memref<200xi32, #tpu.memory_space<hbm>>
      %dma_wait3A_210 = tpu.memref_slice %arg3[%add3A_208] : memref<204800xi32, #tpu.memory_space<hbm>> -> memref<200xi32, #tpu.memory_space<hbm>>
      tpu.wait_dma2 semaphore(%arg24 : memref<!tpu.dma_semaphore, #tpu.memory_space<semaphore_mem>>) src(%dma_wait3A_210 : memref<200xi32, #tpu.memory_space<hbm>>) dst(%arg8 : memref<200xi32, #tpu.memory_space<vmem>>)
      %dma_start3A_211 = arith.constant 0 : i32
      %dma_start3A_212 = arith.constant 0 : i32
      %dma_start3A_213 = tpu.memref_slice %arg2[%dma_start3A_211, %dma_start3A_212] : memref<100000x128xf32, #tpu.memory_space<hbm>> -> memref<100000x128xf32, #tpu.memory_space<hbm>>
      tpu.enqueue_indirect_dma source(%dma_start3A_213 : memref<100000x128xf32, #tpu.memory_space<hbm>>) target(%arg12 : memref<200x128xf32, #tpu.memory_space<vmem>>) offsets(%arg8 : memref<200xi32, #tpu.memory_space<vmem>>) semaphore(%arg16 : memref<!tpu.dma_semaphore, #tpu.memory_space<semaphore_mem>>)
    }
    %scan3A_48 = arith.constant 7 : i32
    %add3A_49 = arith.constant 5600 : i32
    %add3A_50 = arith.addi %mul3A_2, %add3A_49 : i32
    %dma_wait3A_51 = arith.constant 0 : i32
    %dma_wait3A_52 = arith.constant 0 : i32
    %dma_wait3A_53 = tpu.memref_slice %arg2[%dma_wait3A_51, %dma_wait3A_52] : memref<100000x128xf32, #tpu.memory_space<hbm>> -> memref<100000x128xf32, #tpu.memory_space<hbm>>
    tpu.wait_indirect_dma semaphore(%arg13 : memref<!tpu.dma_semaphore, #tpu.memory_space<semaphore_mem>>) src(%dma_wait3A_53 : memref<100000x128xf32, #tpu.memory_space<hbm>>) dst(%arg9 : memref<200x128xf32, #tpu.memory_space<vmem>>)
    %dma_start3A_54 = arith.constant 0 : i32
    %dma_start3A_55 = tpu.memref_slice %arg4[%add3A_50, %dma_start3A_54] : memref<204800x128xf32, #tpu.memory_space<hbm>> -> memref<200x128xf32, #tpu.memory_space<hbm>>
    %dma_start3A_56 = arith.constant 0 : i32
    %dma_start3A_57 = tpu.memref_slice %arg4[%add3A_50, %dma_start3A_56] : memref<204800x128xf32, #tpu.memory_space<hbm>> -> memref<200x128xf32, #tpu.memory_space<hbm>>
    tpu.enqueue_dma source(%arg9 : memref<200x128xf32, #tpu.memory_space<vmem>>) target(%dma_start3A_57 : memref<200x128xf32, #tpu.memory_space<hbm>>) target_semaphore(%arg17 : memref<!tpu.dma_semaphore, #tpu.memory_space<semaphore_mem>>)
    %dma_wait3A_58 = arith.constant 0 : i32
    %dma_wait3A_59 = tpu.memref_slice %arg4[%add3A_50, %dma_wait3A_58] : memref<204800x128xf32, #tpu.memory_space<hbm>> -> memref<200x128xf32, #tpu.memory_space<hbm>>
    %dma_wait3A_60 = arith.constant 0 : i32
    %dma_wait3A_61 = tpu.memref_slice %arg4[%add3A_50, %dma_wait3A_60] : memref<204800x128xf32, #tpu.memory_space<hbm>> -> memref<200x128xf32, #tpu.memory_space<hbm>>
    tpu.wait_dma2 semaphore(%arg17 : memref<!tpu.dma_semaphore, #tpu.memory_space<semaphore_mem>>) src(%arg9 : memref<200x128xf32, #tpu.memory_space<vmem>>) dst(%dma_wait3A_61 : memref<200x128xf32, #tpu.memory_space<hbm>>)
    %add3A_62 = arith.constant 5800 : i32
    %add3A_63 = arith.addi %mul3A_2, %add3A_62 : i32
    %dma_wait3A_64 = arith.constant 0 : i32
    %dma_wait3A_65 = arith.constant 0 : i32
    %dma_wait3A_66 = tpu.memref_slice %arg2[%dma_wait3A_64, %dma_wait3A_65] : memref<100000x128xf32, #tpu.memory_space<hbm>> -> memref<100000x128xf32, #tpu.memory_space<hbm>>
    tpu.wait_indirect_dma semaphore(%arg14 : memref<!tpu.dma_semaphore, #tpu.memory_space<semaphore_mem>>) src(%dma_wait3A_66 : memref<100000x128xf32, #tpu.memory_space<hbm>>) dst(%arg10 : memref<200x128xf32, #tpu.memory_space<vmem>>)
    %dma_start3A_67 = arith.constant 0 : i32
    %dma_start3A_68 = tpu.memref_slice %arg4[%add3A_63, %dma_start3A_67] : memref<204800x128xf32, #tpu.memory_space<hbm>> -> memref<200x128xf32, #tpu.memory_space<hbm>>
    %dma_start3A_69 = arith.constant 0 : i32
    %dma_start3A_70 = tpu.memref_slice %arg4[%add3A_63, %dma_start3A_69] : memref<204800x128xf32, #tpu.memory_space<hbm>> -> memref<200x128xf32, #tpu.memory_space<hbm>>
    tpu.enqueue_dma source(%arg10 : memref<200x128xf32, #tpu.memory_space<vmem>>) target(%dma_start3A_70 : memref<200x128xf32, #tpu.memory_space<hbm>>) target_semaphore(%arg18 : memref<!tpu.dma_semaphore, #tpu.memory_space<semaphore_mem>>)
    %dma_wait3A_71 = arith.constant 0 : i32
    %dma_wait3A_72 = tpu.memref_slice %arg4[%add3A_63, %dma_wait3A_71] : memref<204800x128xf32, #tpu.memory_space<hbm>> -> memref<200x128xf32, #tpu.memory_space<hbm>>
    %dma_wait3A_73 = arith.constant 0 : i32
    %dma_wait3A_74 = tpu.memref_slice %arg4[%add3A_63, %dma_wait3A_73] : memref<204800x128xf32, #tpu.memory_space<hbm>> -> memref<200x128xf32, #tpu.memory_space<hbm>>
    tpu.wait_dma2 semaphore(%arg18 : memref<!tpu.dma_semaphore, #tpu.memory_space<semaphore_mem>>) src(%arg10 : memref<200x128xf32, #tpu.memory_space<vmem>>) dst(%dma_wait3A_74 : memref<200x128xf32, #tpu.memory_space<hbm>>)
    %add3A_75 = arith.constant 6000 : i32
    %add3A_76 = arith.addi %mul3A_2, %add3A_75 : i32
    %dma_wait3A_77 = arith.constant 0 : i32
    %dma_wait3A_78 = arith.constant 0 : i32
    %dma_wait3A_79 = tpu.memref_slice %arg2[%dma_wait3A_77, %dma_wait3A_78] : memref<100000x128xf32, #tpu.memory_space<hbm>> -> memref<100000x128xf32, #tpu.memory_space<hbm>>
    tpu.wait_indirect_dma semaphore(%arg15 : memref<!tpu.dma_semaphore, #tpu.memory_space<semaphore_mem>>) src(%dma_wait3A_79 : memref<100000x128xf32, #tpu.memory_space<hbm>>) dst(%arg11 : memref<200x128xf32, #tpu.memory_space<vmem>>)
    %dma_start3A_80 = arith.constant 0 : i32
    %dma_start3A_81 = tpu.memref_slice %arg4[%add3A_76, %dma_start3A_80] : memref<204800x128xf32, #tpu.memory_space<hbm>> -> memref<200x128xf32, #tpu.memory_space<hbm>>
    %dma_start3A_82 = arith.constant 0 : i32
    %dma_start3A_83 = tpu.memref_slice %arg4[%add3A_76, %dma_start3A_82] : memref<204800x128xf32, #tpu.memory_space<hbm>> -> memref<200x128xf32, #tpu.memory_space<hbm>>
    tpu.enqueue_dma source(%arg11 : memref<200x128xf32, #tpu.memory_space<vmem>>) target(%dma_start3A_83 : memref<200x128xf32, #tpu.memory_space<hbm>>) target_semaphore(%arg19 : memref<!tpu.dma_semaphore, #tpu.memory_space<semaphore_mem>>)
    %dma_wait3A_84 = arith.constant 0 : i32
    %dma_wait3A_85 = tpu.memref_slice %arg4[%add3A_76, %dma_wait3A_84] : memref<204800x128xf32, #tpu.memory_space<hbm>> -> memref<200x128xf32, #tpu.memory_space<hbm>>
    %dma_wait3A_86 = arith.constant 0 : i32
    %dma_wait3A_87 = tpu.memref_slice %arg4[%add3A_76, %dma_wait3A_86] : memref<204800x128xf32, #tpu.memory_space<hbm>> -> memref<200x128xf32, #tpu.memory_space<hbm>>
    tpu.wait_dma2 semaphore(%arg19 : memref<!tpu.dma_semaphore, #tpu.memory_space<semaphore_mem>>) src(%arg11 : memref<200x128xf32, #tpu.memory_space<vmem>>) dst(%dma_wait3A_87 : memref<200x128xf32, #tpu.memory_space<hbm>>)
    %add3A_88 = arith.constant 6200 : i32
    %add3A_89 = arith.addi %mul3A_2, %add3A_88 : i32
    %dma_wait3A_90 = arith.constant 0 : i32
    %dma_wait3A_91 = arith.constant 0 : i32
    %dma_wait3A_92 = tpu.memref_slice %arg2[%dma_wait3A_90, %dma_wait3A_91] : memref<100000x128xf32, #tpu.memory_space<hbm>> -> memref<100000x128xf32, #tpu.memory_space<hbm>>
    tpu.wait_indirect_dma semaphore(%arg16 : memref<!tpu.dma_semaphore, #tpu.memory_space<semaphore_mem>>) src(%dma_wait3A_92 : memref<100000x128xf32, #tpu.memory_space<hbm>>) dst(%arg12 : memref<200x128xf32, #tpu.memory_space<vmem>>)
    %dma_start3A_93 = arith.constant 0 : i32
    %dma_start3A_94 = tpu.memref_slice %arg4[%add3A_89, %dma_start3A_93] : memref<204800x128xf32, #tpu.memory_space<hbm>> -> memref<200x128xf32, #tpu.memory_space<hbm>>
    %dma_start3A_95 = arith.constant 0 : i32
    %dma_start3A_96 = tpu.memref_slice %arg4[%add3A_89, %dma_start3A_95] : memref<204800x128xf32, #tpu.memory_space<hbm>> -> memref<200x128xf32, #tpu.memory_space<hbm>>
    tpu.enqueue_dma source(%arg12 : memref<200x128xf32, #tpu.memory_space<vmem>>) target(%dma_start3A_96 : memref<200x128xf32, #tpu.memory_space<hbm>>) target_semaphore(%arg20 : memref<!tpu.dma_semaphore, #tpu.memory_space<semaphore_mem>>)
    %dma_wait3A_97 = arith.constant 0 : i32
    %dma_wait3A_98 = tpu.memref_slice %arg4[%add3A_89, %dma_wait3A_97] : memref<204800x128xf32, #tpu.memory_space<hbm>> -> memref<200x128xf32, #tpu.memory_space<hbm>>
    %dma_wait3A_99 = arith.constant 0 : i32
    %dma_wait3A_100 = tpu.memref_slice %arg4[%add3A_89, %dma_wait3A_99] : memref<204800x128xf32, #tpu.memory_space<hbm>> -> memref<200x128xf32, #tpu.memory_space<hbm>>
    tpu.wait_dma2 semaphore(%arg20 : memref<!tpu.dma_semaphore, #tpu.memory_space<semaphore_mem>>) src(%arg12 : memref<200x128xf32, #tpu.memory_space<vmem>>) dst(%dma_wait3A_100 : memref<200x128xf32, #tpu.memory_space<hbm>>)
    return
  }
}

</mosaic_0001>

<sc_bundles>
// kernel: kernel.3.cloned.1.call-start
scs
__scs_entry_jumppad:
0x0: {  	(pc) =	sbr.rel $0x88, $3  }
0x1: {  	(tag) =	ssettag $0x0;
	lr =	simm.s32 $0x1  }
0x2: {  	[smem:$0x3F9F] =	sst lr;
	_ =	strace $0xD0000000  }
0x3: {  	_ = 	snop  }
0x4: {  	_ = 	snop  }
0x5: {  	_ = 	snop  }
0x6: {  	_ = 	snop  }
0x7: {  	_ = 	snop  }
__scs_overlays_trampoline_lowered:
0x8: {  	[smem:$0x3FAE] =	sst s0  }
0x9: {  	[smem:$0x3FAF] =	sst s1  }
0xa: {  	[smem:$0x3FB0] =	sst s2  }
0xb: {  	[smem:$0x3FB1] =	sst s3  }
0xc: {  	[smem:$0x3FB2] =	sst s4  }
0xd: {  	[smem:$0x3FB3] =	sst s5  }
0xe: {  	[smem:$0x3FB4] =	sst s6  }
0xf: {  	[smem:$0x3FB5] =	sst s7  }
0x10: {  	[smem:$0x3FB6] =	sst s8  }
0x11: {  	[smem:$0x3FB7] =	sst s9;
	s0 =	simm.s32 @!p0 $0x0  }
0x12: {  	s1 =	sld [smem:$0x3F9D];
	s0 =	simm.s32 @p0 $0x1  }
0x13: {  	[smem:$0x3FB8] =	sst s0;
	s0 =	simm.s32 @!p1 $0x0  }
0x14: {  	s2 =	sld [smem:$0x3F9C];
	s0 =	simm.s32 @p1 $0x1  }
0x15: {  	[smem:$0x3FB9] =	sst s0;
	s0 =	simm.s32 @!p2 $0x0  }
0x16: {  	s3 =	sld [smem:$0x3FDB];
	s0 =	simm.s32 @p2 $0x1  }
0x17: {  	s4 =	simm.s32 $0x1BF5;
	[smem:$0x3FBB] =	sst s0  }
0x18: {  	s0 =	sld [smem:$0x3F9E];
	_ =	swait.ge [sflag:s4], $0x0  }
0x19: {  	s7 =	sld [smem:$0x3F9F]  }
0x1a: {  	s8 =	sadd.s32 $0xFFFFE003, lr  }
0x1b: {  	s9 =	sadd.s32 $0xFFFFFEF7, lr;
	s5 =	simm.s32 $0xFFFFFFFF;
	p2 =	slt.u32 s8, $0xFFFFF086  }
0x1c: {  	p1 =	slt.u32 s9, $0xF7A;
	s5 =	simm.s32 @!p2 $0x0  }
0x1d: {  	s5 =	simm.s32 @p1 $0x1;
	p0 =	seq.s32 s7, s2  }
0x1e: {  	s7 =	smul.u32 @!p0 $0xF7A, s2;
	p2 =	seq.s32 @!p0 s5, $0x0  }
0x1f: {  	s9 =	smul.u32 $0xF7A, s1;
	s8 =	simm.s32 @!p0 $0x1BF5;
	p2 =	por !p2, p0  }
0x20: {  	[sflag:s8] =	ssyncset.s32 @!p0 $0xFFFFF086;
	s6 =	sadd.s32 @!p0 s3, s7;
	s7 =	simm.s32 @!p0 $0x108  }
0x21: {  	s3 =	sadd.s32 s3, s9;
	s6 =	sadd.s32 @!p0 $0x88, s6;
	s7 =	simm.s32 @p2 $0x1082  }
0x22: {  	[simem:s7], [sflag:s8] =	dma.local @!p0 [hbm:s6], $0xF7A  }
0x23: {  	s9 =	sor.u32 $0xD0000000, s2;
	s6 =	simm.s32 $0x108;
	_ =	swait.ge @!p0 [sflag:s8], $0x0  }
0x24: {  	s3 =	sadd.s32 $0x88, s3;
	s6 =	simm.s32 @!p1 $0x1082;
	[sflag:s4] =	ssyncset.s32 $0xFFFFF086  }
0x25: {  	[simem:s6], [sflag:s4] =	dma.local [hbm:s3], $0xF7A  }
0x26: {  	[smem:$0x3F9F] =	sst s1;
	(tag) =	ssettag s2;
	_ =	strace s9  }
0x27: {  	s1 =	sld [smem:$0x3FAF]  }
0x28: {  	s2 =	sld [smem:$0x3FB0]  }
0x29: {  	s4 =	sld [smem:$0x3FB2]  }
0x2a: {  	p0 =	seq.s32 s5, $0x0;
	s5 =	sld [smem:$0x3FB3]  }
0x2b: {  	s6 =	sld [smem:$0x3FB4]  }
0x2c: {  	s7 =	sld [smem:$0x3FB5]  }
0x2d: {  	s3 =	simm.s32 $0x108;
	s8 =	sld [smem:$0x3FB6]  }
0x2e: {  	s3 =	simm.s32 @!p0 $0x1082;
	s9 =	sld [smem:$0x3FB7]  }
0x2f: {  	lr =	sadd.s32 s0, s3;
	s0 =	sld [smem:$0x3FAE]  }
0x30: {  	s3 =	sld [smem:$0x3FB1]  }
0x31: {  	[smem:$0x3FBA] =	sst s10  }
0x32: {  	s10 =	sld [smem:$0x3FB8];
	_ =	sdelay $0x3  }
0x33: {  	p0 =	seq.s32 s10, $0x1;
	s10 =	sld [smem:$0x3FBA];
	_ =	sdelay $0x3  }
0x34: {  	[smem:$0x3FBA] =	sst s10  }
0x35: {  	s10 =	sld [smem:$0x3FB9];
	_ =	sdelay $0x3  }
0x36: {  	p1 =	seq.s32 s10, $0x1;
	s10 =	sld [smem:$0x3FBA];
	_ =	sdelay $0x3  }
0x37: {  	[smem:$0x3FBA] =	sst s10  }
0x38: {  	s10 =	sld [smem:$0x3FBB]  }
0x39: {  	_ = 	snop;
	(pc) =	sbr.ind lr, $3  }
0x3a: {  	_ = 	snop  }
0x3b: {  	_ = 	snop  }
0x3c: {  	p2 =	seq.s32 s10, $0x1;
	s10 =	sld [smem:$0x3FBA]  }
0x3d: {  	_ =	shalt  }
0x3e: {  	_ =	shalt  }
0x3f: {  	_ =	shalt  }
0x40: {  	_ =	shalt  }
0x41: {  	_ =	shalt  }
0x42: {  	_ =	shalt  }
0x43: {  	_ =	shalt  }
0x44: {  	_ =	shalt  }
0x45: {  	_ =	shalt  }
0x46: {  	_ =	shalt  }
0x47: {  	_ =	shalt  }
0x48: {  	_ =	shalt  }
0x49: {  	_ =	shalt  }
0x4a: {  	_ =	shalt  }
0x4b: {  	_ =	shalt  }
0x4c: {  	_ =	shalt  }
0x4d: {  	_ =	shalt  }
0x4e: {  	_ =	shalt  }
0x4f: {  	_ =	shalt  }
0x50: {  	_ =	shalt  }
0x51: {  	_ =	shalt  }
0x52: {  	_ =	shalt  }
0x53: {  	_ =	shalt  }
0x54: {  	_ =	shalt  }
0x55: {  	_ =	shalt  }
0x56: {  	_ =	shalt  }
0x57: {  	_ =	shalt  }
0x58: {  	_ =	shalt  }
0x59: {  	_ =	shalt  }
0x5a: {  	_ =	shalt  }
0x5b: {  	_ =	shalt  }
0x5c: {  	_ =	shalt  }
0x5d: {  	_ =	shalt  }
0x5e: {  	_ =	shalt  }
0x5f: {  	_ =	shalt  }
0x60: {  	_ =	shalt  }
0x61: {  	_ =	shalt  }
0x62: {  	_ =	shalt  }
0x63: {  	_ =	shalt  }
0x64: {  	_ =	shalt  }
0x65: {  	_ =	shalt  }
0x66: {  	_ =	shalt  }
0x67: {  	_ =	shalt  }
0x68: {  	_ =	shalt  }
0x69: {  	_ =	shalt  }
0x6a: {  	_ =	shalt  }
0x6b: {  	_ =	shalt  }
0x6c: {  	_ =	shalt  }
0x6d: {  	_ =	shalt  }
0x6e: {  	_ =	shalt  }
0x6f: {  	_ =	shalt  }
0x70: {  	_ =	shalt  }
0x71: {  	_ =	shalt  }
0x72: {  	_ =	shalt  }
0x73: {  	_ =	shalt  }
0x74: {  	_ =	shalt  }
0x75: {  	_ =	shalt  }
0x76: {  	_ =	shalt  }
0x77: {  	_ =	shalt  }
0x78: {  	_ =	shalt  }
0x79: {  	_ =	shalt  }
0x7a: {  	_ =	shalt  }
0x7b: {  	_ =	shalt  }
0x7c: {  	_ =	shalt  }
0x7d: {  	_ =	shalt  }
0x7e: {  	_ =	shalt  }
0x7f: {  	_ =	shalt  }
0x80: {  	_ =	shalt  }
0x81: {  	_ =	shalt  }
0x82: {  	_ =	shalt  }
0x83: {  	_ =	shalt  }
0x84: {  	_ =	shalt  }
0x85: {  	_ =	shalt  }
0x86: {  	_ =	shalt  }
0x87: {  	_ =	shalt  }
.Lfunc_end0:
.L_simem_size_0:
called_computation_lowered:
.L_overlay_start_0:
0x88: {  	s2 =	sld [smem:$0x3FD9]  }
0x89: {  	s3 =	sld [smem:$0x3FFE];
	_ =	sdelay $0x1  }
0x8a: {  	s1 =	srdreg.scid  }
0x8b: {  	s0 =	sand.u32 $0x1, s1  }
0x8c: {  	s17 =	sshll.u32 s0, $0xA;
	s2 =	sadd.s32 s3, s2  }
0x8d: {  	s2 =	sadd.s32 s2, s17  }
0x8e: {  	[smem:$0x3FC6] =	sst s2  }
0x8f: {  	_ = 	snop  }
0x90: {  	s2 =	sld [smem:$0x3FC8]  }
0x91: {  	s18 =	sld [smem:$0x3FD0];
	(tm) =	ssettm $0x1  }
0x92: {  	s4 =	sld [smem:$0x3FFB];
	_ =	sdelay $0x3  }
0x93: {  	_ =	strace s4  }
0x94: {  	s4 =	sld [smem:$0x3FFC];
	_ =	sdelay $0x3  }
0x95: {  	_ =	strace s4  }
0x96: {  	s4 =	sld [smem:$0x3FFD];
	_ =	sdelay $0x3  }
0x97: {  	_ =	strace s4  }
0x98: {  	_ =	strace $0x8FFFFFFF  }
0x99: {  	s19 =	sld [smem:$0x3FDB];
	_ =	sdelay $0x1  }
0x9a: {  	s5 =	simm.s32 $_scs_section_size  }
0x9b: {  	s6 =	simm.s32 $_size__tile_overlayer_lowered;
	s7 =	simm.s32 $_tile_overlayer_lowered  }
0x9c: {  	s22 =	simm.s32 $0x1BFF;
	s21 =	sshll.u32 s7, $0x1;
	s4 =	sadd.s32 s5, s19  }
0x9d: {  	s8 =	simm.s32 $0x0;
	s20 =	sshll.u32 s6, $0x1;
	s6 =	sadd.s32 s21, s4  }
0x9e: {  	[timem:s8], [sflag:s22] =	dma.local [hbm:s6], s20  }
0x9f: {  	_ =	swait.ge [sflag:s22], s20  }
0xa0: {  	s5 =	ssub.s32 $0x0, s20;
	[sflag:s22] =	ssyncset.done $0x0  }
0xa1: {  	[sflag:s22] =	ssyncadd.s32 s5;
	_ =	sdelay $0x1  }
0xa2: {  	s23 =	simm.s32 $0x1B8B  }
0xa3: {  	_ =	swait.ge [sflag:s23], $0x1  }
0xa4: {  	[sflag:s23] =	ssyncset.done $0x0  }
0xa5: {  	s25 =	simm.s32 $0x1B8E;
	s24 =	sld [smem:$0x3FFE];
	[sflag:s23] =	ssyncadd.s32 $0xFFFFFFFF  }
0xa6: {  	s26 =	simm.s32 $execute0_lowered;
	[smem:$0x3FD2] =	sst s25  }
0xa7: {  	s6 =	sshll.u32 s26, $0x1;
	_ =	strace $0x80000046;
	[dreg:$0x1] =	wrdreg $0xFFFFFFFF  }
0xa8: {  	s28 =	simm.s32 $_size_execute0_lowered;
	s4 =	sadd.s32 s4, s6;
	[dreg:$0x0] =	wrdreg $0x0  }
0xa9: {  	s6 =	sshll.u32 s28, $0x1;
	[dreg:$0x2] =	wrdreg s4  }
0xaa: {  	[dreg:$0x3] =	wrdreg s6  }
0xab: {  	[dreg:$0x4] =	wrdreg $0xC0  }
0xac: {  	_ =	task [dreg:s8], $0x5FFFF  }
0xad: {  	[dreg:$0x1] =	wrdreg $0xFFFFFFFF  }
0xae: {  	[dreg:$0x0] =	wrdreg $0x60  }
0xaf: {  	[dreg:$0x2] =	wrdreg s2  }
0xb0: {  	[dreg:$0x3] =	wrdreg s24  }
0xb1: {  	[dreg:$0x4] =	wrdreg s18  }
0xb2: {  	[dreg:$0x5] =	wrdreg $0x9  }
0xb3: {  	_ =	task.clear_ibuf [dreg:s8], $0x6FFFF;
	_ =	strace $0x90000046  }
0xb4: {  	s29 =	simm.s32 $0x9;
	_ =	strace $0x80000048  }
0xb5: {  	_ =	swait.ge [sflag:s29], $0x1  }
0xb6: {  	[sflag:s29] =	ssyncadd.s32 $0xFFFFFFFF  }
0xb7: {  	_ =	strace $0x90000048  }
0xb8: {  	_ =	sfence  }
0xb9: {  	s30 =	sld [smem:$0x0];
	_ =	sdelay $0x2  }
0xba: {  	s31 =	sshll.u32 s1, $0xD;
	s1 =	sshrl.u32 s1, $0x2  }
0xbb: {  	s3 =	sand.u32 $0x4000, s31;
	s1 =	sadd.s32 s1, s30  }
0xbc: {  	s0 =	sor.u32 s3, s0;
	s1 =	sshll.u32 s1, $0x11  }
0xbd: {  	s0 =	sor.u32 s1, s0  }
0xbe: {  	s0 =	sadd.s32 $0x8F2B, s0  }
0xbf: {  	[sflag:s0] =	ssyncadd.remote.s32 $0x1  }
0xc0: {  	_ =	sfence.sel $0xFFFF  }
0xc1: {  	[dreg:$0x0] =	wrdreg $0xFFFFFFFF;
	(pc) =	sbr.abs _section_cstart, $3  }
0xc2: {  	[dreg:$0x1] =	wrdreg $0xFFFFFFFF  }
0xc3: {  	_ =	task.clear_ibuf [dreg:s8], $0x2FFFF;
	_ =	strace $0x9FFFFFFF  }
0xc4: {  	(tm) =	ssettm $0x7FFFFFFF  }
0xc5: {  	_ =	shalt  }
tec
execute0_lowered:
.L_overlay_start_1:
0x0: {  	(tag) =	ssettag $0x1  }
0x1: {  	s1 =	rddreg [dreg:$0x0]  }
0x2: {  	s0 =	rddreg [dreg:$0x1];
	s2 =	srdreg.scid  }
0x3: {  	s10 =	stileid.u32;
	s5 =	rddreg [dreg:$0x2]  }
0x4: {  	s3 =	simm.s32 $0x0;
	s28 =	simm.s32 $0x300;
	s29 =	simm.s32 $0xC  }
0x5: {  	s30 =	simm.s32 $0x13000;
	s31 =	simm.s32 $0x1;
	s15 =	smul.u32 $0x32000, s10  }
0x6: {  	s2 =	sand.u32 $0x1, s2;
	s4 =	sshll.u32 s10, $0x1;
	s10 =	smul.u32 $0x3200, s10  }
0x7: {  	s11 =	simm.s32 $0x0;
	[smem:$0x7FF] =	sst s3;
	s16 =	smul.u32 $0x19000, s2  }
0x8: {  	s6 =	sor.u32 s2, s4;
	s8 =	ssub.s32 $0x2, s2;
	s2 =	smul.u32 $0x1900, s2  }
0x9: {  	_ =	strace $0x80000047;
	s7 =	smul.u32 $0x1900, s6;
	s13 =	sshrl.u32 s8, $0x1  }
0xa: {  	s4 =	sadd.s32 $0x400, s0;
	s6 =	smul.u32 $0xC8000, s6;
	s0 =	ssub.s32 s8, s13  }
0xb: {  	s2 =	sadd.s32 s2, s10;
	s10 =	simm.s32 $0x8;
	s9 =	sshrl.u32 s7, $0x3  }
0xc: {  	s7 =	sadd.s32 $0x258, s7;
	s6 =	sshrl.u32 s6, $0x3;
	s0 =	smax.u32 s0, $0x1  }
0xd: {  	s20 =	sadd.s32 $0x578, s2;
	s21 =	sadd.s32 $0x4B0, s2;
	s22 =	sadd.s32 $0x3E8, s2  }
0xe: {  	s26 =	sadd.s32 $0x320, s2;
	s2 =	simm.s32 $0x5;
	[dreg:$0xd] =	wrdreg s0  }
0xf: {  	s14 =	sadd.s32 s4, s9;
	s7 =	sshrl.u32 s7, $0x3;
	[dreg:$0x11] =	wrdreg s26  }
0x10: {  	s6 =	sadd.s32 s5, s6;
	s9 =	sadd.s32 $0x19, s14;
	[dreg:$0x5] =	wrdreg s14  }
0x11: {  	s5 =	sadd.s32 s15, s5;
	s8 =	sadd.s32 $0x32, s14;
	[dreg:$0x6] =	wrdreg s9  }
0x12: {  	s0 =	sshrl.u32 s20, $0x3;
	s7 =	sadd.s32 s4, s7;
	[dreg:$0x7] =	wrdreg s8  }
0x13: {  	s23 =	sshrl.u32 s21, $0x3;
	s17 =	sadd.s32 $0x15E00, s6;
	[dreg:$0x8] =	wrdreg s7  }
0x14: {  	s24 =	sshrl.u32 s22, $0x3;
	s18 =	sadd.s32 $0x16A80, s6;
	[dreg:$0x9] =	wrdreg s17  }
0x15: {  	s20 =	simm.s32 $0x400;
	s19 =	sadd.s32 $0x17700, s6;
	[dreg:$0xa] =	wrdreg s18  }
0x16: {  	s21 =	simm.s32 $0x100;
	s6 =	sadd.s32 $0x18380, s6;
	[dreg:$0xb] =	wrdreg s19  }
0x17: {  	s22 =	simm.s32 $0xA;
	s5 =	sadd.s32 s16, s5;
	[dreg:$0xc] =	wrdreg s6  }
0x18: {  	s26 =	simm.s32 $0xCC00;
	s0 =	sadd.s32 s0, s4;
	[dreg:$0x4] =	wrdreg s5  }
0x19: {  	s25 =	sadd.s32 s24, s4;
	s24 =	simm.s32 $0x200;
	[dreg:$0xe] =	wrdreg s0  }
0x1a: {  	s0 =	sadd.s32 s23, s4;
	[dreg:$0x10] =	wrdreg s25;
	s18 =	simm.s32 $0x9  }
0x1b: {  	s19 =	simm.s32 $0xC8;
	s23 =	simm.s32 $0x6800;
	s25 =	simm.s32 $0xB  }
0x1c: {  	s6 =	simm.s32 $0x6;
	s7 =	simm.s32 $0x3;
	s8 =	simm.s32 $0x7  }
0x1d: {  	s9 =	simm.s32 $0x4;
	[dreg:$0xf] =	wrdreg s0;
	s0 =	simm.s32 $0x2  }
.LBB2_1:
0x1e: {  	[dreg:$0x12] =	wrdreg s11  }
0x1f: {  	s5 =	rddreg [dreg:$0x5]  }
0x20: {  	[tilespmem:s3], [sflag:$0x9] =	stream.linear.gather [hbm4b:s5+s3], $0xC8, $0x38;
	[tilespmem:$0x19400] =	vst v63  }
0x21: {  	_ =	swait.ge [sflag:s18], $0xC8  }
0x22: {  	[sflag:s18] =	ssyncset.done $0x0  }
0x23: {  	[sflag:s18] =	ssyncadd.s32 $0xFFFFFF38  }
0x24: {  	[tilespmem:s20], [sflag:$0x1] =	stream.indirect.gather [hbm4b:s1+s19], $0x80, s3, s19, $0xb8;
	[tilespmem:$0x19400] =	vst v63  }
0x25: {  	s14 =	rddreg [dreg:$0x6]  }
0x26: {  	[tilespmem:s21], [sflag:$0xA] =	stream.linear.gather [hbm4b:s14+s3], $0xC8, $0x38;
	[tilespmem:$0x19400] =	vst v63  }
0x27: {  	_ =	swait.ge [sflag:s22], $0xC8  }
0x28: {  	[sflag:s22] =	ssyncset.done $0x0  }
0x29: {  	[sflag:s22] =	ssyncadd.s32 $0xFFFFFF38  }
0x2a: {  	[tilespmem:s23], [sflag:$0x2] =	stream.indirect.gather [hbm4b:s1+s19], $0x80, s21, s19, $0xb8;
	[tilespmem:$0x19400] =	vst v63  }
0x2b: {  	s15 =	rddreg [dreg:$0x7]  }
0x2c: {  	[tilespmem:s24], [sflag:$0xB] =	stream.linear.gather [hbm4b:s15+s3], $0xC8, $0x38;
	[tilespmem:$0x19400] =	vst v63  }
0x2d: {  	_ =	swait.ge [sflag:s25], $0xC8  }
0x2e: {  	[sflag:s25] =	ssyncset.done $0x0  }
0x2f: {  	[sflag:s25] =	ssyncadd.s32 $0xFFFFFF38  }
0x30: {  	[tilespmem:s26], [sflag:$0x3] =	stream.indirect.gather [hbm4b:s1+s19], $0x80, s24, s19, $0xb8;
	[tilespmem:$0x19400] =	vst v63  }
0x31: {  	s16 =	rddreg [dreg:$0x8]  }
0x32: {  	[tilespmem:s28], [sflag:$0xC] =	stream.linear.gather [hbm4b:s16+s3], $0xC8, $0x38;
	[tilespmem:$0x19400] =	vst v63  }
0x33: {  	_ =	swait.ge [sflag:s29], $0xC8  }
0x34: {  	[sflag:s29] =	ssyncset.done $0x0  }
0x35: {  	[sflag:s29] =	ssyncadd.s32 $0xFFFFFF38  }
0x36: {  	[tilespmem:s30], [sflag:$0x4] =	stream.indirect.gather [hbm4b:s1+s19], $0x80, s28, s19, $0xb8;
	[tilespmem:$0x19400] =	vst v63  }
0x37: {  	_ =	swait.ge [sflag:s31], $0x6400  }
0x38: {  	s14 =	rddreg [dreg:$0x11]  }
0x39: {  	[sflag:s31] =	ssyncset.done $0x0;
	s17 =	sshrl.u32 s14, $0x3  }
0x3a: {  	s12 =	rddreg [dreg:$0x4];
	[sflag:s31] =	ssyncadd.s32 $0xFFFF9C00;
	s5 =	sadd.s32 s4, s17  }
0x3b: {  	[tilespmem:s3], [sflag:$0x9] =	stream.linear.gather [hbm4b:s5+s3], $0xC8, $0x38;
	[tilespmem:$0x19400] =	vst v63  }
0x3c: {  	s11 =	sadd.s32 $0x0, s12  }
0x3d: {  	[hbm4b:s11+s3] =	stream.linear.scatter [tilespmem:s20], [sflag:$0x5], $0x6400, $0x38;
	[tilespmem:$0x19400] =	vst v63  }
0x3e: {  	_ =	swait.ge [sflag:s2], $0x6400  }
0x3f: {  	[sflag:s2] =	ssyncset.done $0x0  }
0x40: {  	[sflag:s2] =	ssyncadd.s32 $0xFFFF9C00  }
0x41: {  	_ =	swait.ge [sflag:s18], $0xC8  }
0x42: {  	[sflag:s18] =	ssyncset.done $0x0  }
0x43: {  	[sflag:s18] =	ssyncadd.s32 $0xFFFFFF38  }
0x44: {  	[tilespmem:s20], [sflag:$0x1] =	stream.indirect.gather [hbm4b:s1+s19], $0x80, s3, s19, $0xb8;
	[tilespmem:$0x19400] =	vst v63  }
0x45: {  	_ =	swait.ge [sflag:s0], $0x6400  }
0x46: {  	[sflag:s0] =	ssyncset.done $0x0  }
0x47: {  	s13 =	rddreg [dreg:$0x10];
	[sflag:s0] =	ssyncadd.s32 $0xFFFF9C00  }
0x48: {  	[tilespmem:s21], [sflag:$0xA] =	stream.linear.gather [hbm4b:s13+s3], $0xC8, $0x38;
	[tilespmem:$0x19400] =	vst v63  }
0x49: {  	s12 =	sadd.s32 $0xC80, s11  }
0x4a: {  	[hbm4b:s12+s3] =	stream.linear.scatter [tilespmem:s23], [sflag:$0x6], $0x6400, $0x38;
	[tilespmem:$0x19400] =	vst v63  }
0x4b: {  	_ =	swait.ge [sflag:s6], $0x6400  }
0x4c: {  	[sflag:s6] =	ssyncset.done $0x0  }
0x4d: {  	[sflag:s6] =	ssyncadd.s32 $0xFFFF9C00  }
0x4e: {  	_ =	swait.ge [sflag:s22], $0xC8  }
0x4f: {  	[sflag:s22] =	ssyncset.done $0x0  }
0x50: {  	[sflag:s22] =	ssyncadd.s32 $0xFFFFFF38  }
0x51: {  	[tilespmem:s23], [sflag:$0x2] =	stream.indirect.gather [hbm4b:s1+s19], $0x80, s21, s19, $0xb8;
	[tilespmem:$0x19400] =	vst v63  }
0x52: {  	_ =	swait.ge [sflag:s7], $0x6400  }
0x53: {  	[sflag:s7] =	ssyncset.done $0x0  }
0x54: {  	s15 =	rddreg [dreg:$0xf];
	[sflag:s7] =	ssyncadd.s32 $0xFFFF9C00  }
0x55: {  	[tilespmem:s24], [sflag:$0xB] =	stream.linear.gather [hbm4b:s15+s3], $0xC8, $0x38;
	[tilespmem:$0x19400] =	vst v63  }
0x56: {  	s16 =	sadd.s32 $0x1900, s11  }
0x57: {  	[hbm4b:s16+s3] =	stream.linear.scatter [tilespmem:s26], [sflag:$0x7], $0x6400, $0x38;
	[tilespmem:$0x19400] =	vst v63  }
0x58: {  	_ =	swait.ge [sflag:s8], $0x6400  }
0x59: {  	[sflag:s8] =	ssyncset.done $0x0  }
0x5a: {  	[sflag:s8] =	ssyncadd.s32 $0xFFFF9C00  }
0x5b: {  	_ =	swait.ge [sflag:s25], $0xC8  }
0x5c: {  	[sflag:s25] =	ssyncset.done $0x0  }
0x5d: {  	[sflag:s25] =	ssyncadd.s32 $0xFFFFFF38  }
0x5e: {  	[tilespmem:s26], [sflag:$0x3] =	stream.indirect.gather [hbm4b:s1+s19], $0x80, s24, s19, $0xb8;
	[tilespmem:$0x19400] =	vst v63  }
0x5f: {  	_ =	swait.ge [sflag:s9], $0x6400  }
0x60: {  	[sflag:s9] =	ssyncset.done $0x0  }
0x61: {  	s17 =	rddreg [dreg:$0xe];
	[sflag:s9] =	ssyncadd.s32 $0xFFFF9C00  }
0x62: {  	[tilespmem:s28], [sflag:$0xC] =	stream.linear.gather [hbm4b:s17+s3], $0xC8, $0x38;
	[tilespmem:$0x19400] =	vst v63  }
0x63: {  	s5 =	sadd.s32 $0x2580, s11  }
0x64: {  	[hbm4b:s5+s3] =	stream.linear.scatter [tilespmem:s30], [sflag:$0x8], $0x6400, $0x38;
	[tilespmem:$0x19400] =	vst v63  }
0x65: {  	_ =	swait.ge [sflag:s10], $0x6400  }
0x66: {  	[sflag:s10] =	ssyncset.done $0x0  }
0x67: {  	[sflag:s10] =	ssyncadd.s32 $0xFFFF9C00  }
0x68: {  	s12 =	simm.s32 $0x3200;
	_ =	swait.ge [sflag:s29], $0xC8  }
0x69: {  	s15 =	sadd.s32 $0x64, s15;
	s5 =	sadd.s32 $0x64, s13;
	[sflag:s29] =	ssyncset.done $0x0  }
0x6a: {  	s13 =	sadd.s32 $0x320, s14;
	s14 =	sadd.s32 $0x64, s17;
	[sflag:s29] =	ssyncadd.s32 $0xFFFFFF38  }
.LBB2_2:
0x6b: {  	[tilespmem:s30], [sflag:$0x4] =	stream.indirect.gather [hbm4b:s1+s19], $0x80, s28, s19, $0xb8;
	[tilespmem:$0x19400] =	vst v63  }
0x6c: {  	_ =	swait.ge [sflag:s31], $0x6400  }
0x6d: {  	s16 =	smov.u32 s12;
	s17 =	sshrl.u32 s13, $0x3;
	[sflag:s31] =	ssyncset.done $0x0  }
0x6e: {  	s17 =	sadd.s32 s4, s17;
	s11 =	rddreg [dreg:$0x4];
	[sflag:s31] =	ssyncadd.s32 $0xFFFF9C00  }
0x6f: {  	[tilespmem:s3], [sflag:$0x9] =	stream.linear.gather [hbm4b:s17+s3], $0xC8, $0x38;
	[tilespmem:$0x19400] =	vst v63  }
0x70: {  	s16 =	sadd.s32 s16, s11  }
0x71: {  	[hbm4b:s16+s3] =	stream.linear.scatter [tilespmem:s20], [sflag:$0x5], $0x6400, $0x38;
	[tilespmem:$0x19400] =	vst v63  }
0x72: {  	_ =	swait.ge [sflag:s2], $0x6400  }
0x73: {  	[sflag:s2] =	ssyncset.done $0x0  }
0x74: {  	[sflag:s2] =	ssyncadd.s32 $0xFFFF9C00  }
0x75: {  	_ =	swait.ge [sflag:s18], $0xC8  }
0x76: {  	[sflag:s18] =	ssyncset.done $0x0  }
0x77: {  	[sflag:s18] =	ssyncadd.s32 $0xFFFFFF38  }
0x78: {  	[tilespmem:s20], [sflag:$0x1] =	stream.indirect.gather [hbm4b:s1+s19], $0x80, s3, s19, $0xb8;
	[tilespmem:$0x19400] =	vst v63  }
0x79: {  	_ =	swait.ge [sflag:s0], $0x6400  }
0x7a: {  	[sflag:s0] =	ssyncset.done $0x0  }
0x7b: {  	[sflag:s0] =	ssyncadd.s32 $0xFFFF9C00  }
0x7c: {  	[tilespmem:s21], [sflag:$0xA] =	stream.linear.gather [hbm4b:s5+s3], $0xC8, $0x38;
	[tilespmem:$0x19400] =	vst v63  }
0x7d: {  	s11 =	sadd.s32 $0xC80, s16  }
0x7e: {  	[hbm4b:s11+s3] =	stream.linear.scatter [tilespmem:s23], [sflag:$0x6], $0x6400, $0x38;
	[tilespmem:$0x19400] =	vst v63  }
0x7f: {  	_ =	swait.ge [sflag:s6], $0x6400  }
0x80: {  	[sflag:s6] =	ssyncset.done $0x0  }
0x81: {  	[sflag:s6] =	ssyncadd.s32 $0xFFFF9C00  }
0x82: {  	_ =	swait.ge [sflag:s22], $0xC8  }
0x83: {  	[sflag:s22] =	ssyncset.done $0x0  }
0x84: {  	[sflag:s22] =	ssyncadd.s32 $0xFFFFFF38  }
0x85: {  	[tilespmem:s23], [sflag:$0x2] =	stream.indirect.gather [hbm4b:s1+s19], $0x80, s21, s19, $0xb8;
	[tilespmem:$0x19400] =	vst v63  }
0x86: {  	_ =	swait.ge [sflag:s7], $0x6400  }
0x87: {  	[sflag:s7] =	ssyncset.done $0x0  }
0x88: {  	[sflag:s7] =	ssyncadd.s32 $0xFFFF9C00  }
0x89: {  	[tilespmem:s24], [sflag:$0xB] =	stream.linear.gather [hbm4b:s15+s3], $0xC8, $0x38;
	[tilespmem:$0x19400] =	vst v63  }
0x8a: {  	s17 =	sadd.s32 $0x1900, s16  }
0x8b: {  	[hbm4b:s17+s3] =	stream.linear.scatter [tilespmem:s26], [sflag:$0x7], $0x6400, $0x38;
	[tilespmem:$0x19400] =	vst v63  }
0x8c: {  	_ =	swait.ge [sflag:s8], $0x6400  }
0x8d: {  	[sflag:s8] =	ssyncset.done $0x0  }
0x8e: {  	[sflag:s8] =	ssyncadd.s32 $0xFFFF9C00  }
0x8f: {  	_ =	swait.ge [sflag:s25], $0xC8  }
0x90: {  	[sflag:s25] =	ssyncset.done $0x0  }
0x91: {  	[sflag:s25] =	ssyncadd.s32 $0xFFFFFF38  }
0x92: {  	[tilespmem:s26], [sflag:$0x3] =	stream.indirect.gather [hbm4b:s1+s19], $0x80, s24, s19, $0xb8;
	[tilespmem:$0x19400] =	vst v63  }
0x93: {  	_ =	swait.ge [sflag:s9], $0x6400  }
0x94: {  	[sflag:s9] =	ssyncset.done $0x0  }
0x95: {  	[sflag:s9] =	ssyncadd.s32 $0xFFFF9C00  }
0x96: {  	[tilespmem:s28], [sflag:$0xC] =	stream.linear.gather [hbm4b:s14+s3], $0xC8, $0x38;
	[tilespmem:$0x19400] =	vst v63  }
0x97: {  	s17 =	sadd.s32 $0x2580, s16  }
0x98: {  	[hbm4b:s17+s3] =	stream.linear.scatter [tilespmem:s30], [sflag:$0x8], $0x6400, $0x38;
	[tilespmem:$0x19400] =	vst v63  }
0x99: {  	p0 =	sne.s32 s12, $0x12C00;
	_ =	swait.ge [sflag:s10], $0x6400  }
.Ltmp0:
0x9a: {  	[sflag:s10] =	ssyncset.done $0x0;
	(pc) =	sbr.rel @p0 .LBB2_2-.Ltmp0, $4  }
0x9b: {  	[sflag:s10] =	ssyncadd.s32 $0xFFFF9C00  }
0x9c: {  	s12 =	sadd.s32 $0x3200, s12;
	_ =	swait.ge [sflag:s29], $0xC8  }
0x9d: {  	s13 =	sadd.s32 $0x320, s13;
	s5 =	sadd.s32 $0x64, s5;
	[sflag:s29] =	ssyncset.done $0x0  }
0x9e: {  	s15 =	sadd.s32 $0x64, s15;
	s14 =	sadd.s32 $0x64, s14;
	[sflag:s29] =	ssyncadd.s32 $0xFFFFFF38  }
0x9f: {  	[tilespmem:s30], [sflag:$0x4] =	stream.indirect.gather [hbm4b:s1+s19], $0x80, s28, s19, $0xb8;
	[tilespmem:$0x19400] =	vst v63  }
0xa0: {  	_ =	swait.ge [sflag:s31], $0x6400  }
0xa1: {  	[sflag:s31] =	ssyncset.done $0x0  }
0xa2: {  	s5 =	rddreg [dreg:$0x9];
	[sflag:s31] =	ssyncadd.s32 $0xFFFF9C00  }
0xa3: {  	[hbm4b:s5+s3] =	stream.linear.scatter [tilespmem:s20], [sflag:$0x5], $0x6400, $0x38;
	[tilespmem:$0x19400] =	vst v63  }
0xa4: {  	_ =	swait.ge [sflag:s2], $0x6400  }
0xa5: {  	[sflag:s2] =	ssyncset.done $0x0  }
0xa6: {  	[sflag:s2] =	ssyncadd.s32 $0xFFFF9C00  }
0xa7: {  	_ =	swait.ge [sflag:s0], $0x6400  }
0xa8: {  	[sflag:s0] =	ssyncset.done $0x0  }
0xa9: {  	s14 =	rddreg [dreg:$0xa];
	[sflag:s0] =	ssyncadd.s32 $0xFFFF9C00  }
0xaa: {  	[hbm4b:s14+s3] =	stream.linear.scatter [tilespmem:s23], [sflag:$0x6], $0x6400, $0x38;
	[tilespmem:$0x19400] =	vst v63  }
0xab: {  	_ =	swait.ge [sflag:s6], $0x6400  }
0xac: {  	[sflag:s6] =	ssyncset.done $0x0  }
0xad: {  	[sflag:s6] =	ssyncadd.s32 $0xFFFF9C00  }
0xae: {  	_ =	swait.ge [sflag:s7], $0x6400  }
0xaf: {  	[sflag:s7] =	ssyncset.done $0x0  }
0xb0: {  	s15 =	rddreg [dreg:$0xb];
	[sflag:s7] =	ssyncadd.s32 $0xFFFF9C00  }
0xb1: {  	[hbm4b:s15+s3] =	stream.linear.scatter [tilespmem:s26], [sflag:$0x7], $0x6400, $0x38;
	[tilespmem:$0x19400] =	vst v63  }
0xb2: {  	_ =	swait.ge [sflag:s8], $0x6400  }
0xb3: {  	[sflag:s8] =	ssyncset.done $0x0  }
0xb4: {  	[sflag:s8] =	ssyncadd.s32 $0xFFFF9C00  }
0xb5: {  	_ =	swait.ge [sflag:s9], $0x6400  }
0xb6: {  	[sflag:s9] =	ssyncset.done $0x0  }
0xb7: {  	s16 =	rddreg [dreg:$0xc];
	[sflag:s9] =	ssyncadd.s32 $0xFFFF9C00  }
0xb8: {  	[hbm4b:s16+s3] =	stream.linear.scatter [tilespmem:s30], [sflag:$0x8], $0x6400, $0x38;
	[tilespmem:$0x19400] =	vst v63  }
0xb9: {  	_ =	swait.ge [sflag:s10], $0x6400  }
0xba: {  	s11 =	rddreg [dreg:$0x12]  }
0xbb: {  	s17 =	rddreg [dreg:$0xd];
	s11 =	sadd.s32 $0x1, s11  }
0xbc: {  	p0 =	sne.s32 s11, s17  }
.Ltmp1:
0xbd: {  	_ = 	snop;
	(pc) =	sbr.rel @p0 .LBB2_1-.Ltmp1, $3  }
0xbe: {  	_ =	sdelay $0x1  }
0xbf: {  	[sflag:s10] =	ssyncset.done $0x0  }
0xc0: {  	[sflag:s10] =	ssyncadd.s32 $0xFFFF9C00  }
0xc1: {  	_ =	sfence.sel $0x180000  }
0xc2: {  	[bflag:$0x0] =	sbarrier.arrive $0xFFFF  }
0xc3: {  	_ =	strace $0x90000047  }
0xc4: {  	s0 =	stileid.u32;
	[bflag:$0x2] =	sbarrier.arrive $0xFFFF  }
0xc5: {  	p0 =	sne.s32 s0, $0x0;
	s0 =	rddreg [dreg:$0x3]  }
0xc6: {  	s0 =	sadd.s32 @!p0 $0x100000, s0  }
0xc7: {  	[sflag:s0] =	ssyncadd.tile.s32 @!p0 $0x1;
	_ =	shalt  }
.Lfunc_end2:
_tile_overlayer_lowered:
.L_overlay_start_2:
0xc8: {  	(tag) =	ssettag $0x2  }
0xc9: {  	s0 =	rddreg [dreg:$0x0];
	s2 =	stileid.u32  }
0xca: {  	s1 =	rddreg [dreg:$0x1];
	p0 =	sne.s32 s2, $0x0  }
0xcb: {  	s3 =	rddreg [dreg:$0x2];
	[bflag:$0x3] =	sbarrier.arrive $0xFFFF;
	s2 =	simm.s32 @!p0 $0x1C0D  }
0xcc: {  	[timem:s3], [sflag:s2] =	dma.local @!p0 [hbm:s0], s1  }
0xcd: {  	s0 =	simm.s32 @!p0 $0xD  }
0xce: {  	_ =	swait.ge @!p0 [sflag:s0], s1  }
0xcf: {  	s1 =	ssub.s32 @!p0 $0x0, s1;
	[sflag:s0] =	ssyncset.done @!p0 $0x0  }
0xd0: {  	[sflag:s0] =	ssyncadd.s32 @!p0 s1  }
0xd1: {  	[bflag:$0x3] =	sbarrier.arrive $0xFFFF  }
0xd2: {  	_ =	shalt  }

</sc_bundles>
